<compile_context>
chip_gen: v7x
topology: tpu7x:2x2x1
jax: 0.10.2.dev20260603
libtpu: 0.0.44.dev20260713+nightly
codegen_flags: <defaults>
</compile_context>

<pallas_src>
import functools

import jax
import jax.numpy as jnp
from jax import lax
from jax.experimental import pallas as pl
from jax.experimental.pallas import tpu as pltpu
from jax.experimental.pallas import tpu_sc as plsc

B, L, H = 1024, 200, 128
V = 100000

NC, NS, LANES = 2, 16, 16
NW = NC * NS
ROWS_W = B // NW
NVEC = L // LANES
TAIL = L - NVEC * LANES


def _sc_gather(table, idx2d):
    mesh = plsc.VectorSubcoreMesh(core_axis_name="c", subcore_axis_name="s")

    @functools.partial(
        pl.kernel,
        mesh=mesh,
        out_type=jax.ShapeDtypeStruct((B, L), jnp.float32),
        scratch_types=[
            pltpu.VMEM_SHARED((V,), jnp.float32),
            pltpu.VMEM((V,), jnp.float32),
            pltpu.VMEM((ROWS_W, L), jnp.int32),
            pltpu.VMEM((ROWS_W, L), jnp.float32),
            pltpu.SemaphoreType.DMA,
        ],
        compiler_params=pltpu.CompilerParams(needs_layout_passes=False),
    )
    def gather_kernel(table_hbm, idx_hbm, out_hbm, table_sh, table_v, idx_v,
                      out_v, sem):
        sid = lax.axis_index("s")
        wid = sid * NC + lax.axis_index("c")
        base = wid * ROWS_W
        idx_cp = pltpu.async_copy(idx_hbm.at[pl.ds(base, ROWS_W)], idx_v, sem)
        @pl.when(sid == 0)
        def _():
            pltpu.sync_copy(table_hbm, table_sh)
        plsc.subcore_barrier()
        pltpu.sync_copy(table_sh, table_v)
        idx_cp.wait()

        def row(r, carry):
            for u in range(NVEC):
                sl = pl.ds(u * LANES, LANES)
                out_v[r, sl] = plsc.load_gather(table_v, [idx_v[r, sl]])
            if TAIL:
                sl = pl.ds(L - LANES, LANES)
                out_v[r, sl] = plsc.load_gather(table_v, [idx_v[r, sl]])
            return carry

        lax.fori_loop(0, ROWS_W, row, 0)
        pltpu.sync_copy(out_v, out_hbm.at[pl.ds(base, ROWS_W)])

    return gather_kernel(table, idx2d)


BT = 128


def _pool_body(w_ref, mask_ref, v_ref, out_ref):
    w = w_ref[...]
    m = mask_ref[...]
    wm = jnp.where((1.0 - m) > 0.5, -jnp.inf, w)
    mx = jnp.max(wm, axis=1, keepdims=True)
    e = jnp.exp(wm - mx)
    s = jnp.sum(e, axis=1, keepdims=True)
    p = (e / s) * m
    v = v_ref[...]
    out_ref[...] = jax.lax.dot_general(
        p, v, (((1,), (1,)), ((0,), (0,))),
        preferred_element_type=jnp.float32,
    )


def kernel(inp, values, mask, weight):
    w = _sc_gather(weight.reshape(V), inp)
    return pl.pallas_call(
        _pool_body,
        grid=(B // BT,),
        in_specs=[
            pl.BlockSpec((BT, L), lambda i: (i, 0)),
            pl.BlockSpec((BT, L), lambda i: (i, 0)),
            pl.BlockSpec((BT, L, H), lambda i: (i, 0, 0)),
        ],
        out_specs=pl.BlockSpec((BT, H), lambda i: (i, 0)),
        out_shape=jax.ShapeDtypeStruct((B, H), jnp.float32),
    )(w, mask, values)

# --- scband reference (transcript-rebuilt; emitter-appended) ---
"""Pipeline reference for scband-embedding-weighted-average-15788299780114 (READ-ONLY COPY).

The authoritative reference and input builder live on the scoring server;
editing this copy changes nothing except your own understanding.
"""

import jax, jax.numpy as jnp
import numpy as np

B, L, H = 1024, 200, 128
V = 100000

def setup_inputs(seed: int = 0) -> dict:
    key = jax.random.key(seed)
    k1, k2 = jax.random.split(key)
    inp = jax.random.randint(k1, (B, L), 0, V, dtype=jnp.int32)
    values = jax.random.normal(k2, (B, L, H), dtype=jnp.float32)
    mask = jnp.ones((B, L), dtype=jnp.float32)
    # learned parameter: Embedding(num_embeddings=V, embedding_dim=1), 'uniform' init -> ones
    weight = jnp.ones((V, 1), dtype=jnp.float32)
    return {"inp": inp, "values": values, "mask": mask, "weight": weight}

def reference(inp, values, mask, weight):
    # mask = mask.unsqueeze(-1).float()
    m = mask[..., None].astype(jnp.float32)  # [B, L, 1]
    # weights = self.weights(inp)  -> embedding lookup, embedding_dim=1
    w = jnp.take(weight, inp, axis=0)  # [B, L, 1]
    # masked_fill((1 - mask).bool(), -inf) then softmax over dim=1 (the L dim)
    w = jnp.where((1.0 - m) > 0.5, -jnp.inf, w)
    w = jax.nn.softmax(w, axis=1)
    # repeat to hidden dim (broadcast is numerically identical)
    w = jnp.broadcast_to(w, values.shape)
    mb = jnp.broadcast_to(m, values.shape)
    weighted_average = (w * values * mb).sum(axis=1)  # [B, H]
    return weighted_average

if __name__ == "__main__":
    import jax
    _d = setup_inputs()
    print(jax.jit(kernel)(*tuple(_d.values())))

</pallas_src>

<mosaic_0001>
#map = affine_map<(d0, d1) -> (0)>
#map1 = affine_map<(d0, d1) -> (0, 0)>
module attributes {stable_mosaic.version = 14 : i64} {
  func.func @gather_kernel(%arg0: i32, %arg1: i32, %arg2: memref<100000xf32, #tpu.memory_space<hbm>>, %arg3: memref<1024x200xi32, #tpu.memory_space<hbm>>, %arg4: memref<1024x200xf32, #tpu.memory_space<hbm>>, %arg5: memref<100000xf32, #tpu.memory_space<vmem_shared>>, %arg6: memref<100000xf32, #tpu.memory_space<vmem>>, %arg7: memref<32x200xi32, #tpu.memory_space<vmem>>, %arg8: memref<32x200xf32, #tpu.memory_space<vmem>>, %arg9: memref<!tpu.dma_semaphore, #tpu.memory_space<semaphore_mem>>) attributes {dimension_semantics = [#tpu.dimension_semantics<core_parallel>, #tpu.dimension_semantics<subcore_parallel>], iteration_bounds = array<i64: 2, 16>, scalar_prefetch = 0 : i64, scratch_operands = 5 : i64, tpu.core_type = #tpu.core_type<sc_vector_subcore>, window_params = [{transform_indices = #map}, {transform_indices = #map1}, {transform_indices = #map1}]} {
    %mul3A = arith.constant 2 : i32
    %mul3A_0 = arith.muli %arg1, %mul3A : i32
    %add3A = arith.addi %mul3A_0, %arg0 : i32
    %mul3A_1 = arith.constant 32 : i32
    %mul3A_2 = arith.muli %add3A, %mul3A_1 : i32
    %dma_start3A = arith.constant 0 : i32
    %dma_start3A_3 = tpu.memref_slice %arg3[%mul3A_2, %dma_start3A] : memref<1024x200xi32, #tpu.memory_space<hbm>> -> memref<32x200xi32, #tpu.memory_space<hbm>>
    %dma_start3A_4 = arith.constant 0 : i32
    %dma_start3A_5 = tpu.memref_slice %arg3[%mul3A_2, %dma_start3A_4] : memref<1024x200xi32, #tpu.memory_space<hbm>> -> memref<32x200xi32, #tpu.memory_space<hbm>>
    tpu.enqueue_dma source(%dma_start3A_5 : memref<32x200xi32, #tpu.memory_space<hbm>>) target(%arg7 : memref<32x200xi32, #tpu.memory_space<vmem>>) target_semaphore(%arg9 : memref<!tpu.dma_semaphore, #tpu.memory_space<semaphore_mem>>)
    %eq3A = arith.constant 0 : i32
    %eq3A_6 = arith.cmpi eq, %arg1, %eq3A : i32
    %convert_element_type3A = arith.extui %eq3A_6 : i1 to i32
    %cond3A = arith.constant 0 : i32
    %cond3A_7 = arith.cmpi ne, %convert_element_type3A, %cond3A : i32
    scf.if %cond3A_7 {
      "tpu.region"() ({
        %run_scoped3A = tpu.sem_alloc : memref<!tpu.dma_semaphore, #tpu.memory_space<semaphore_mem>>
        tpu.enqueue_dma source(%arg2 : memref<100000xf32, #tpu.memory_space<hbm>>) target(%arg5 : memref<100000xf32, #tpu.memory_space<vmem_shared>>) target_semaphore(%run_scoped3A : memref<!tpu.dma_semaphore, #tpu.memory_space<semaphore_mem>>)
        tpu.wait_dma2 semaphore(%run_scoped3A : memref<!tpu.dma_semaphore, #tpu.memory_space<semaphore_mem>>) src(%arg2 : memref<100000xf32, #tpu.memory_space<hbm>>) dst(%arg5 : memref<100000xf32, #tpu.memory_space<vmem_shared>>)
        tpu.yield
      }) : () -> ()
    } else {
    }
    %barrier3A = arith.constant 0 : index
    tpu.barrier barrier_id(%barrier3A)
    "tpu.region"() ({
      %run_scoped3A = tpu.sem_alloc : memref<!tpu.dma_semaphore, #tpu.memory_space<semaphore_mem>>
      tpu.enqueue_dma source(%arg5 : memref<100000xf32, #tpu.memory_space<vmem_shared>>) target(%arg6 : memref<100000xf32, #tpu.memory_space<vmem>>) target_semaphore(%run_scoped3A : memref<!tpu.dma_semaphore, #tpu.memory_space<semaphore_mem>>)
      tpu.wait_dma2 semaphore(%run_scoped3A : memref<!tpu.dma_semaphore, #tpu.memory_space<semaphore_mem>>) src(%arg5 : memref<100000xf32, #tpu.memory_space<vmem_shared>>) dst(%arg6 : memref<100000xf32, #tpu.memory_space<vmem>>)
      tpu.yield
    }) : () -> ()
    %dma_wait3A = arith.constant 0 : i32
    %dma_wait3A_8 = tpu.memref_slice %arg3[%mul3A_2, %dma_wait3A] : memref<1024x200xi32, #tpu.memory_space<hbm>> -> memref<32x200xi32, #tpu.memory_space<hbm>>
    %dma_wait3A_9 = arith.constant 0 : i32
    %dma_wait3A_10 = tpu.memref_slice %arg3[%mul3A_2, %dma_wait3A_9] : memref<1024x200xi32, #tpu.memory_space<hbm>> -> memref<32x200xi32, #tpu.memory_space<hbm>>
    tpu.wait_dma2 semaphore(%arg9 : memref<!tpu.dma_semaphore, #tpu.memory_space<semaphore_mem>>) src(%dma_wait3A_10 : memref<32x200xi32, #tpu.memory_space<hbm>>) dst(%arg7 : memref<32x200xi32, #tpu.memory_space<vmem>>)
    %scan3A = arith.constant 0 : i32
    %scan3A_11 = arith.constant 0 : i32
    %scan3A_12 = arith.constant 32 : i32
    %scan3A_13 = arith.addi %scan3A_11, %scan3A_12 : i32
    %scan3A_14 = arith.constant 1 : i32
    scf.for %scan3A_16 = %scan3A_11 to %scan3A_13 step %scan3A_14  : i32 {
      %get3A = arith.index_cast %scan3A_16 : i32 to index
      %get3A_17 = arith.constant 0 : index
      %get3A_18 = tpu.vector_load %arg7[%get3A, %get3A_17] {strides = array<i32>} : memref<32x200xi32, #tpu.memory_space<vmem>>, vector<16xi32>,
      %gather3A = tpu.vector_load_idx %arg6[%get3A_18] : memref<100000xf32, #tpu.memory_space<vmem>>[vector<16xi32>], vector<16xf32>,
      %swap3A = arith.index_cast %scan3A_16 : i32 to index
      %swap3A_19 = arith.constant 0 : index
      %swap3A_20 = tpu.vector_load %arg8[%swap3A, %swap3A_19] {strides = array<i32>} : memref<32x200xf32, #tpu.memory_space<vmem>>, vector<16xf32>,
      tpu.vector_store %arg8[%swap3A, %swap3A_19], %gather3A {strides = array<i32>} : memref<32x200xf32, #tpu.memory_space<vmem>>, vector<16xf32>,
      %get3A_21 = arith.index_cast %scan3A_16 : i32 to index
      %get3A_22 = arith.constant 16 : index
      %get3A_23 = tpu.vector_load %arg7[%get3A_21, %get3A_22] {strides = array<i32>} : memref<32x200xi32, #tpu.memory_space<vmem>>, vector<16xi32>,
      %gather3A_24 = tpu.vector_load_idx %arg6[%get3A_23] : memref<100000xf32, #tpu.memory_space<vmem>>[vector<16xi32>], vector<16xf32>,
      %swap3A_25 = arith.index_cast %scan3A_16 : i32 to index
      %swap3A_26 = arith.constant 16 : index
      %swap3A_27 = tpu.vector_load %arg8[%swap3A_25, %swap3A_26] {strides = array<i32>} : memref<32x200xf32, #tpu.memory_space<vmem>>, vector<16xf32>,
      tpu.vector_store %arg8[%swap3A_25, %swap3A_26], %gather3A_24 {strides = array<i32>} : memref<32x200xf32, #tpu.memory_space<vmem>>, vector<16xf32>,
      %get3A_28 = arith.index_cast %scan3A_16 : i32 to index
      %get3A_29 = arith.constant 32 : index
      %get3A_30 = tpu.vector_load %arg7[%get3A_28, %get3A_29] {strides = array<i32>} : memref<32x200xi32, #tpu.memory_space<vmem>>, vector<16xi32>,
      %gather3A_31 = tpu.vector_load_idx %arg6[%get3A_30] : memref<100000xf32, #tpu.memory_space<vmem>>[vector<16xi32>], vector<16xf32>,
      %swap3A_32 = arith.index_cast %scan3A_16 : i32 to index
      %swap3A_33 = arith.constant 32 : index
      %swap3A_34 = tpu.vector_load %arg8[%swap3A_32, %swap3A_33] {strides = array<i32>} : memref<32x200xf32, #tpu.memory_space<vmem>>, vector<16xf32>,
      tpu.vector_store %arg8[%swap3A_32, %swap3A_33], %gather3A_31 {strides = array<i32>} : memref<32x200xf32, #tpu.memory_space<vmem>>, vector<16xf32>,
      %get3A_35 = arith.index_cast %scan3A_16 : i32 to index
      %get3A_36 = arith.constant 48 : index
      %get3A_37 = tpu.vector_load %arg7[%get3A_35, %get3A_36] {strides = array<i32>} : memref<32x200xi32, #tpu.memory_space<vmem>>, vector<16xi32>,
      %gather3A_38 = tpu.vector_load_idx %arg6[%get3A_37] : memref<100000xf32, #tpu.memory_space<vmem>>[vector<16xi32>], vector<16xf32>,
      %swap3A_39 = arith.index_cast %scan3A_16 : i32 to index
      %swap3A_40 = arith.constant 48 : index
      %swap3A_41 = tpu.vector_load %arg8[%swap3A_39, %swap3A_40] {strides = array<i32>} : memref<32x200xf32, #tpu.memory_space<vmem>>, vector<16xf32>,
      tpu.vector_store %arg8[%swap3A_39, %swap3A_40], %gather3A_38 {strides = array<i32>} : memref<32x200xf32, #tpu.memory_space<vmem>>, vector<16xf32>,
      %get3A_42 = arith.index_cast %scan3A_16 : i32 to index
      %get3A_43 = arith.constant 64 : index
      %get3A_44 = tpu.vector_load %arg7[%get3A_42, %get3A_43] {strides = array<i32>} : memref<32x200xi32, #tpu.memory_space<vmem>>, vector<16xi32>,
      %gather3A_45 = tpu.vector_load_idx %arg6[%get3A_44] : memref<100000xf32, #tpu.memory_space<vmem>>[vector<16xi32>], vector<16xf32>,
      %swap3A_46 = arith.index_cast %scan3A_16 : i32 to index
      %swap3A_47 = arith.constant 64 : index
      %swap3A_48 = tpu.vector_load %arg8[%swap3A_46, %swap3A_47] {strides = array<i32>} : memref<32x200xf32, #tpu.memory_space<vmem>>, vector<16xf32>,
      tpu.vector_store %arg8[%swap3A_46, %swap3A_47], %gather3A_45 {strides = array<i32>} : memref<32x200xf32, #tpu.memory_space<vmem>>, vector<16xf32>,
      %get3A_49 = arith.index_cast %scan3A_16 : i32 to index
      %get3A_50 = arith.constant 80 : index
      %get3A_51 = tpu.vector_load %arg7[%get3A_49, %get3A_50] {strides = array<i32>} : memref<32x200xi32, #tpu.memory_space<vmem>>, vector<16xi32>,
      %gather3A_52 = tpu.vector_load_idx %arg6[%get3A_51] : memref<100000xf32, #tpu.memory_space<vmem>>[vector<16xi32>], vector<16xf32>,
      %swap3A_53 = arith.index_cast %scan3A_16 : i32 to index
      %swap3A_54 = arith.constant 80 : index
      %swap3A_55 = tpu.vector_load %arg8[%swap3A_53, %swap3A_54] {strides = array<i32>} : memref<32x200xf32, #tpu.memory_space<vmem>>, vector<16xf32>,
      tpu.vector_store %arg8[%swap3A_53, %swap3A_54], %gather3A_52 {strides = array<i32>} : memref<32x200xf32, #tpu.memory_space<vmem>>, vector<16xf32>,
      %get3A_56 = arith.index_cast %scan3A_16 : i32 to index
      %get3A_57 = arith.constant 96 : index
      %get3A_58 = tpu.vector_load %arg7[%get3A_56, %get3A_57] {strides = array<i32>} : memref<32x200xi32, #tpu.memory_space<vmem>>, vector<16xi32>,
      %gather3A_59 = tpu.vector_load_idx %arg6[%get3A_58] : memref<100000xf32, #tpu.memory_space<vmem>>[vector<16xi32>], vector<16xf32>,
      %swap3A_60 = arith.index_cast %scan3A_16 : i32 to index
      %swap3A_61 = arith.constant 96 : index
      %swap3A_62 = tpu.vector_load %arg8[%swap3A_60, %swap3A_61] {strides = array<i32>} : memref<32x200xf32, #tpu.memory_space<vmem>>, vector<16xf32>,
      tpu.vector_store %arg8[%swap3A_60, %swap3A_61], %gather3A_59 {strides = array<i32>} : memref<32x200xf32, #tpu.memory_space<vmem>>, vector<16xf32>,
      %get3A_63 = arith.index_cast %scan3A_16 : i32 to index
      %get3A_64 = arith.constant 112 : index
      %get3A_65 = tpu.vector_load %arg7[%get3A_63, %get3A_64] {strides = array<i32>} : memref<32x200xi32, #tpu.memory_space<vmem>>, vector<16xi32>,
      %gather3A_66 = tpu.vector_load_idx %arg6[%get3A_65] : memref<100000xf32, #tpu.memory_space<vmem>>[vector<16xi32>], vector<16xf32>,
      %swap3A_67 = arith.index_cast %scan3A_16 : i32 to index
      %swap3A_68 = arith.constant 112 : index
      %swap3A_69 = tpu.vector_load %arg8[%swap3A_67, %swap3A_68] {strides = array<i32>} : memref<32x200xf32, #tpu.memory_space<vmem>>, vector<16xf32>,
      tpu.vector_store %arg8[%swap3A_67, %swap3A_68], %gather3A_66 {strides = array<i32>} : memref<32x200xf32, #tpu.memory_space<vmem>>, vector<16xf32>,
      %get3A_70 = arith.index_cast %scan3A_16 : i32 to index
      %get3A_71 = arith.constant 128 : index
      %get3A_72 = tpu.vector_load %arg7[%get3A_70, %get3A_71] {strides = array<i32>} : memref<32x200xi32, #tpu.memory_space<vmem>>, vector<16xi32>,
      %gather3A_73 = tpu.vector_load_idx %arg6[%get3A_72] : memref<100000xf32, #tpu.memory_space<vmem>>[vector<16xi32>], vector<16xf32>,
      %swap3A_74 = arith.index_cast %scan3A_16 : i32 to index
      %swap3A_75 = arith.constant 128 : index
      %swap3A_76 = tpu.vector_load %arg8[%swap3A_74, %swap3A_75] {strides = array<i32>} : memref<32x200xf32, #tpu.memory_space<vmem>>, vector<16xf32>,
      tpu.vector_store %arg8[%swap3A_74, %swap3A_75], %gather3A_73 {strides = array<i32>} : memref<32x200xf32, #tpu.memory_space<vmem>>, vector<16xf32>,
      %get3A_77 = arith.index_cast %scan3A_16 : i32 to index
      %get3A_78 = arith.constant 144 : index
      %get3A_79 = tpu.vector_load %arg7[%get3A_77, %get3A_78] {strides = array<i32>} : memref<32x200xi32, #tpu.memory_space<vmem>>, vector<16xi32>,
      %gather3A_80 = tpu.vector_load_idx %arg6[%get3A_79] : memref<100000xf32, #tpu.memory_space<vmem>>[vector<16xi32>], vector<16xf32>,
      %swap3A_81 = arith.index_cast %scan3A_16 : i32 to index
      %swap3A_82 = arith.constant 144 : index
      %swap3A_83 = tpu.vector_load %arg8[%swap3A_81, %swap3A_82] {strides = array<i32>} : memref<32x200xf32, #tpu.memory_space<vmem>>, vector<16xf32>,
      tpu.vector_store %arg8[%swap3A_81, %swap3A_82], %gather3A_80 {strides = array<i32>} : memref<32x200xf32, #tpu.memory_space<vmem>>, vector<16xf32>,
      %get3A_84 = arith.index_cast %scan3A_16 : i32 to index
      %get3A_85 = arith.constant 160 : index
      %get3A_86 = tpu.vector_load %arg7[%get3A_84, %get3A_85] {strides = array<i32>} : memref<32x200xi32, #tpu.memory_space<vmem>>, vector<16xi32>,
      %gather3A_87 = tpu.vector_load_idx %arg6[%get3A_86] : memref<100000xf32, #tpu.memory_space<vmem>>[vector<16xi32>], vector<16xf32>,
      %swap3A_88 = arith.index_cast %scan3A_16 : i32 to index
      %swap3A_89 = arith.constant 160 : index
      %swap3A_90 = tpu.vector_load %arg8[%swap3A_88, %swap3A_89] {strides = array<i32>} : memref<32x200xf32, #tpu.memory_space<vmem>>, vector<16xf32>,
      tpu.vector_store %arg8[%swap3A_88, %swap3A_89], %gather3A_87 {strides = array<i32>} : memref<32x200xf32, #tpu.memory_space<vmem>>, vector<16xf32>,
      %get3A_91 = arith.index_cast %scan3A_16 : i32 to index
      %get3A_92 = arith.constant 176 : index
      %get3A_93 = tpu.vector_load %arg7[%get3A_91, %get3A_92] {strides = array<i32>} : memref<32x200xi32, #tpu.memory_space<vmem>>, vector<16xi32>,
      %gather3A_94 = tpu.vector_load_idx %arg6[%get3A_93] : memref<100000xf32, #tpu.memory_space<vmem>>[vector<16xi32>], vector<16xf32>,
      %swap3A_95 = arith.index_cast %scan3A_16 : i32 to index
      %swap3A_96 = arith.constant 176 : index
      %swap3A_97 = tpu.vector_load %arg8[%swap3A_95, %swap3A_96] {strides = array<i32>} : memref<32x200xf32, #tpu.memory_space<vmem>>, vector<16xf32>,
      tpu.vector_store %arg8[%swap3A_95, %swap3A_96], %gather3A_94 {strides = array<i32>} : memref<32x200xf32, #tpu.memory_space<vmem>>, vector<16xf32>,
      %get3A_98 = arith.index_cast %scan3A_16 : i32 to index
      %get3A_99 = arith.constant 184 : index
      %get3A_100 = tpu.vector_load %arg7[%get3A_98, %get3A_99] {strides = array<i32>} : memref<32x200xi32, #tpu.memory_space<vmem>>, vector<16xi32>,
      %gather3A_101 = tpu.vector_load_idx %arg6[%get3A_100] : memref<100000xf32, #tpu.memory_space<vmem>>[vector<16xi32>], vector<16xf32>,
      %swap3A_102 = arith.index_cast %scan3A_16 : i32 to index
      %swap3A_103 = arith.constant 184 : index
      %swap3A_104 = tpu.vector_load %arg8[%swap3A_102, %swap3A_103] {strides = array<i32>} : memref<32x200xf32, #tpu.memory_space<vmem>>, vector<16xf32>,
      tpu.vector_store %arg8[%swap3A_102, %swap3A_103], %gather3A_101 {strides = array<i32>} : memref<32x200xf32, #tpu.memory_space<vmem>>, vector<16xf32>,
    }
    %scan3A_15 = arith.constant 32 : i32
    "tpu.region"() ({
      %run_scoped3A = tpu.sem_alloc : memref<!tpu.dma_semaphore, #tpu.memory_space<semaphore_mem>>
      %dma_start3A_16 = arith.constant 0 : i32
      %dma_start3A_17 = tpu.memref_slice %arg4[%mul3A_2, %dma_start3A_16] : memref<1024x200xf32, #tpu.memory_space<hbm>> -> memref<32x200xf32, #tpu.memory_space<hbm>>
      %dma_start3A_18 = arith.constant 0 : i32
      %dma_start3A_19 = tpu.memref_slice %arg4[%mul3A_2, %dma_start3A_18] : memref<1024x200xf32, #tpu.memory_space<hbm>> -> memref<32x200xf32, #tpu.memory_space<hbm>>
      tpu.enqueue_dma source(%arg8 : memref<32x200xf32, #tpu.memory_space<vmem>>) target(%dma_start3A_19 : memref<32x200xf32, #tpu.memory_space<hbm>>) target_semaphore(%run_scoped3A : memref<!tpu.dma_semaphore, #tpu.memory_space<semaphore_mem>>)
      %dma_wait3A_20 = arith.constant 0 : i32
      %dma_wait3A_21 = tpu.memref_slice %arg4[%mul3A_2, %dma_wait3A_20] : memref<1024x200xf32, #tpu.memory_space<hbm>> -> memref<32x200xf32, #tpu.memory_space<hbm>>
      %dma_wait3A_22 = arith.constant 0 : i32
      %dma_wait3A_23 = tpu.memref_slice %arg4[%mul3A_2, %dma_wait3A_22] : memref<1024x200xf32, #tpu.memory_space<hbm>> -> memref<32x200xf32, #tpu.memory_space<hbm>>
      tpu.wait_dma2 semaphore(%run_scoped3A : memref<!tpu.dma_semaphore, #tpu.memory_space<semaphore_mem>>) src(%arg8 : memref<32x200xf32, #tpu.memory_space<vmem>>) dst(%dma_wait3A_23 : memref<32x200xf32, #tpu.memory_space<hbm>>)
      tpu.yield
    }) : () -> ()
    return
  }
}

module attributes {stable_mosaic.version = 14 : i64} {
  func.func @_pool_body(%arg0: i32, %arg1: memref<128x200xf32, #tpu.memory_space<vmem>>, %arg2: memref<128x200xf32, #tpu.memory_space<vmem>>, %arg3: memref<128x200x128xf32, #tpu.memory_space<vmem>>, %arg4: memref<128x128xf32, #tpu.memory_space<vmem>>) attributes {dimension_semantics = [#tpu.dimension_semantics<arbitrary>], iteration_bounds = array<i64: 8>, scalar_prefetch = 0 : i64, scratch_operands = 0 : i64, tpu.core_type = #tpu.core_type<tc>, window_params = [{transform_indices = @transform_0, window_bounds = array<i64: 128, 200>}, {transform_indices = @transform_1, window_bounds = array<i64: 128, 200>}, {transform_indices = @transform_2, window_bounds = array<i64: 128, 200, 128>}, {transform_indices = @transform_3, window_bounds = array<i64: 128, 128>}]} {
    %get3A = arith.constant 0 : index
    %get3A_0 = arith.constant 0 : index
    %get3A_1 = vector.load %arg1[%get3A, %get3A_0] : memref<128x200xf32, #tpu.memory_space<vmem>>, vector<128x200xf32>
    %get3A_2 = arith.constant 0 : index
    %get3A_3 = arith.constant 0 : index
    %get3A_4 = vector.load %arg2[%get3A_2, %get3A_3] : memref<128x200xf32, #tpu.memory_space<vmem>>, vector<128x200xf32>
    %sub3A = arith.constant 1.000000e+00 : f32
    %sub3A_5 = vector.broadcast %sub3A : f32 to vector<128x200xf32>
    %sub3A_6 = arith.subf %sub3A_5, %get3A_4 : vector<128x200xf32>
    %gt3A = arith.constant 5.000000e-01 : f32
    %gt3A_7 = vector.broadcast %gt3A : f32 to vector<128x200xf32>
    %gt3A_8 = arith.cmpf ogt, %sub3A_6, %gt3A_7 : vector<128x200xf32>
    %jit3A = arith.constant 0xFF800000 : f32
    %broadcast_in_dim3A = vector.broadcast %jit3A : f32 to vector<128x200xf32>
    %select_n3A = arith.select %gt3A_8, %broadcast_in_dim3A, %get3A_1 : vector<128x200xi1>, vector<128x200xf32>
    %reduce_max3A = arith.constant dense<0xFF800000> : vector<128xf32>
    %reduce_max3A_9 = vector.multi_reduction <maximumf>, %select_n3A, %reduce_max3A [1] : vector<128x200xf32> to vector<128xf32>
    %broadcast_in_dim3A_10 = vector.shape_cast %reduce_max3A_9 : vector<128xf32> to vector<128x1xf32>
    %sub3A_11 = vector.broadcast %broadcast_in_dim3A_10 : vector<128x1xf32> to vector<128x200xf32>
    %sub3A_12 = arith.subf %select_n3A, %sub3A_11 : vector<128x200xf32>
    %exp3A = math.exp %sub3A_12 : vector<128x200xf32>
    %reduce_sum3A = arith.constant dense<0.000000e+00> : vector<128xf32>
    %reduce_sum3A_13 = vector.multi_reduction <add>, %exp3A, %reduce_sum3A [1] : vector<128x200xf32> to vector<128xf32>
    %broadcast_in_dim3A_14 = vector.shape_cast %reduce_sum3A_13 : vector<128xf32> to vector<128x1xf32>
    %div3A = vector.broadcast %broadcast_in_dim3A_14 : vector<128x1xf32> to vector<128x200xf32>
    %div3A_15 = arith.divf %exp3A, %div3A : vector<128x200xf32>
    %mul3A = arith.mulf %div3A_15, %get3A_4 : vector<128x200xf32>
    %get3A_16 = arith.constant 0 : index
    %get3A_17 = arith.constant 0 : index
    %get3A_18 = arith.constant 0 : index
    %get3A_19 = vector.load %arg3[%get3A_16, %get3A_17, %get3A_18] : memref<128x200x128xf32, #tpu.memory_space<vmem>>, vector<128x200x128xf32>
    %dot_general3A = arith.constant dense<0.000000e+00> : vector<128x128xf32>
    %dot_general3A_20 = tpu.matmul %mul3A, %get3A_19, %dot_general3A {dimension_numbers = #tpu.dot_dimension_numbers<[1], [1], [], [2], [0, 0, 1, 2], [0], [0]>, transpose_lhs_hint = false} : vector<128x200xf32>, vector<128x200x128xf32>, vector<128x128xf32> -> vector<128x128xf32>
    %swap3A = arith.constant 0 : index
    %swap3A_21 = arith.constant 0 : index
    %swap3A_22 = vector.load %arg4[%swap3A, %swap3A_21] : memref<128x128xf32, #tpu.memory_space<vmem>>, vector<128x128xf32>
    tpu.vector_store %arg4[%swap3A, %swap3A_21], %dot_general3A_20 {strides = array<i32>} : memref<128x128xf32, #tpu.memory_space<vmem>>, vector<128x128xf32>,
    return
  }
  func.func @transform_0(%arg0: i32) -> (i32, i32) {
    %c0_i32 = arith.constant 0 : i32
    %c0_i32_0 = arith.constant 0 : i32
    return %arg0, %c0_i32 : i32, i32
  }
  func.func @transform_1(%arg0: i32) -> (i32, i32) {
    %c0_i32 = arith.constant 0 : i32
    %c0_i32_0 = arith.constant 0 : i32
    return %arg0, %c0_i32 : i32, i32
  }
  func.func @transform_2(%arg0: i32) -> (i32, i32, i32) {
    %c0_i32 = arith.constant 0 : i32
    %c0_i32_0 = arith.constant 0 : i32
    %c0_i32_1 = arith.constant 0 : i32
    return %arg0, %c0_i32, %c0_i32_0 : i32, i32, i32
  }
  func.func @transform_3(%arg0: i32) -> (i32, i32) {
    %c0_i32 = arith.constant 0 : i32
    %c0_i32_0 = arith.constant 0 : i32
    return %arg0, %c0_i32 : i32, i32
  }
}

</mosaic_0001>

<sc_bundles>
// kernel: kernel.4.cloned.1.call-start
scs
__scs_entry_jumppad:
0x0: {  	(pc) =	sbr.rel $0x88, $3  }
0x1: {  	(tag) =	ssettag $0x0;
	lr =	simm.s32 $0x1  }
0x2: {  	[smem:$0x3F9D] =	sst lr;
	_ =	strace $0xD0000000  }
0x3: {  	_ = 	snop  }
0x4: {  	_ = 	snop  }
0x5: {  	_ = 	snop  }
0x6: {  	_ = 	snop  }
0x7: {  	_ = 	snop  }
__scs_overlays_trampoline_lowered:
0x8: {  	[smem:$0x3FAC] =	sst s0  }
0x9: {  	[smem:$0x3FAD] =	sst s1  }
0xa: {  	[smem:$0x3FAE] =	sst s2  }
0xb: {  	[smem:$0x3FAF] =	sst s3  }
0xc: {  	[smem:$0x3FB0] =	sst s4  }
0xd: {  	[smem:$0x3FB1] =	sst s5  }
0xe: {  	[smem:$0x3FB2] =	sst s6  }
0xf: {  	[smem:$0x3FB3] =	sst s7  }
0x10: {  	[smem:$0x3FB4] =	sst s8  }
0x11: {  	[smem:$0x3FB5] =	sst s9;
	s0 =	simm.s32 @!p0 $0x0  }
0x12: {  	s1 =	sld [smem:$0x3F9B];
	s0 =	simm.s32 @p0 $0x1  }
0x13: {  	[smem:$0x3FB6] =	sst s0;
	s0 =	simm.s32 @!p1 $0x0  }
0x14: {  	s2 =	sld [smem:$0x3F9A];
	s0 =	simm.s32 @p1 $0x1  }
0x15: {  	[smem:$0x3FB7] =	sst s0;
	s0 =	simm.s32 @!p2 $0x0  }
0x16: {  	s3 =	sld [smem:$0x3FDB];
	s0 =	simm.s32 @p2 $0x1  }
0x17: {  	s4 =	simm.s32 $0x1BF5;
	[smem:$0x3FB9] =	sst s0  }
0x18: {  	s0 =	sld [smem:$0x3F9C];
	_ =	swait.ge [sflag:s4], $0x0  }
0x19: {  	s7 =	sld [smem:$0x3F9D]  }
0x1a: {  	s8 =	sadd.s32 $0xFFFFE003, lr  }
0x1b: {  	s9 =	sadd.s32 $0xFFFFFEF7, lr;
	s5 =	simm.s32 $0xFFFFFFFF;
	p2 =	slt.u32 s8, $0xFFFFF086  }
0x1c: {  	p1 =	slt.u32 s9, $0xF7A;
	s5 =	simm.s32 @!p2 $0x0  }
0x1d: {  	s5 =	simm.s32 @p1 $0x1;
	p0 =	seq.s32 s7, s2  }
0x1e: {  	s7 =	smul.u32 @!p0 $0xF7A, s2;
	p2 =	seq.s32 @!p0 s5, $0x0  }
0x1f: {  	s9 =	smul.u32 $0xF7A, s1;
	s8 =	simm.s32 @!p0 $0x1BF5;
	p2 =	por !p2, p0  }
0x20: {  	[sflag:s8] =	ssyncset.s32 @!p0 $0xFFFFF086;
	s6 =	sadd.s32 @!p0 s3, s7;
	s7 =	simm.s32 @!p0 $0x108  }
0x21: {  	s3 =	sadd.s32 s3, s9;
	s6 =	sadd.s32 @!p0 $0x88, s6;
	s7 =	simm.s32 @p2 $0x1082  }
0x22: {  	[simem:s7], [sflag:s8] =	dma.local @!p0 [hbm:s6], $0xF7A  }
0x23: {  	s9 =	sor.u32 $0xD0000000, s2;
	s6 =	simm.s32 $0x108;
	_ =	swait.ge @!p0 [sflag:s8], $0x0  }
0x24: {  	s3 =	sadd.s32 $0x88, s3;
	s6 =	simm.s32 @!p1 $0x1082;
	[sflag:s4] =	ssyncset.s32 $0xFFFFF086  }
0x25: {  	[simem:s6], [sflag:s4] =	dma.local [hbm:s3], $0xF7A  }
0x26: {  	[smem:$0x3F9D] =	sst s1;
	(tag) =	ssettag s2;
	_ =	strace s9  }
0x27: {  	s1 =	sld [smem:$0x3FAD]  }
0x28: {  	s2 =	sld [smem:$0x3FAE]  }
0x29: {  	s4 =	sld [smem:$0x3FB0]  }
0x2a: {  	p0 =	seq.s32 s5, $0x0;
	s5 =	sld [smem:$0x3FB1]  }
0x2b: {  	s6 =	sld [smem:$0x3FB2]  }
0x2c: {  	s7 =	sld [smem:$0x3FB3]  }
0x2d: {  	s3 =	simm.s32 $0x108;
	s8 =	sld [smem:$0x3FB4]  }
0x2e: {  	s3 =	simm.s32 @!p0 $0x1082;
	s9 =	sld [smem:$0x3FB5]  }
0x2f: {  	lr =	sadd.s32 s0, s3;
	s0 =	sld [smem:$0x3FAC]  }
0x30: {  	s3 =	sld [smem:$0x3FAF]  }
0x31: {  	[smem:$0x3FB8] =	sst s10  }
0x32: {  	s10 =	sld [smem:$0x3FB6];
	_ =	sdelay $0x3  }
0x33: {  	p0 =	seq.s32 s10, $0x1;
	s10 =	sld [smem:$0x3FB8];
	_ =	sdelay $0x3  }
0x34: {  	[smem:$0x3FB8] =	sst s10  }
0x35: {  	s10 =	sld [smem:$0x3FB7];
	_ =	sdelay $0x3  }
0x36: {  	p1 =	seq.s32 s10, $0x1;
	s10 =	sld [smem:$0x3FB8];
	_ =	sdelay $0x3  }
0x37: {  	[smem:$0x3FB8] =	sst s10  }
0x38: {  	s10 =	sld [smem:$0x3FB9]  }
0x39: {  	_ = 	snop;
	(pc) =	sbr.ind lr, $3  }
0x3a: {  	_ = 	snop  }
0x3b: {  	_ = 	snop  }
0x3c: {  	p2 =	seq.s32 s10, $0x1;
	s10 =	sld [smem:$0x3FB8]  }
0x3d: {  	_ =	shalt  }
0x3e: {  	_ =	shalt  }
0x3f: {  	_ =	shalt  }
0x40: {  	_ =	shalt  }
0x41: {  	_ =	shalt  }
0x42: {  	_ =	shalt  }
0x43: {  	_ =	shalt  }
0x44: {  	_ =	shalt  }
0x45: {  	_ =	shalt  }
0x46: {  	_ =	shalt  }
0x47: {  	_ =	shalt  }
0x48: {  	_ =	shalt  }
0x49: {  	_ =	shalt  }
0x4a: {  	_ =	shalt  }
0x4b: {  	_ =	shalt  }
0x4c: {  	_ =	shalt  }
0x4d: {  	_ =	shalt  }
0x4e: {  	_ =	shalt  }
0x4f: {  	_ =	shalt  }
0x50: {  	_ =	shalt  }
0x51: {  	_ =	shalt  }
0x52: {  	_ =	shalt  }
0x53: {  	_ =	shalt  }
0x54: {  	_ =	shalt  }
0x55: {  	_ =	shalt  }
0x56: {  	_ =	shalt  }
0x57: {  	_ =	shalt  }
0x58: {  	_ =	shalt  }
0x59: {  	_ =	shalt  }
0x5a: {  	_ =	shalt  }
0x5b: {  	_ =	shalt  }
0x5c: {  	_ =	shalt  }
0x5d: {  	_ =	shalt  }
0x5e: {  	_ =	shalt  }
0x5f: {  	_ =	shalt  }
0x60: {  	_ =	shalt  }
0x61: {  	_ =	shalt  }
0x62: {  	_ =	shalt  }
0x63: {  	_ =	shalt  }
0x64: {  	_ =	shalt  }
0x65: {  	_ =	shalt  }
0x66: {  	_ =	shalt  }
0x67: {  	_ =	shalt  }
0x68: {  	_ =	shalt  }
0x69: {  	_ =	shalt  }
0x6a: {  	_ =	shalt  }
0x6b: {  	_ =	shalt  }
0x6c: {  	_ =	shalt  }
0x6d: {  	_ =	shalt  }
0x6e: {  	_ =	shalt  }
0x6f: {  	_ =	shalt  }
0x70: {  	_ =	shalt  }
0x71: {  	_ =	shalt  }
0x72: {  	_ =	shalt  }
0x73: {  	_ =	shalt  }
0x74: {  	_ =	shalt  }
0x75: {  	_ =	shalt  }
0x76: {  	_ =	shalt  }
0x77: {  	_ =	shalt  }
0x78: {  	_ =	shalt  }
0x79: {  	_ =	shalt  }
0x7a: {  	_ =	shalt  }
0x7b: {  	_ =	shalt  }
0x7c: {  	_ =	shalt  }
0x7d: {  	_ =	shalt  }
0x7e: {  	_ =	shalt  }
0x7f: {  	_ =	shalt  }
0x80: {  	_ =	shalt  }
0x81: {  	_ =	shalt  }
0x82: {  	_ =	shalt  }
0x83: {  	_ =	shalt  }
0x84: {  	_ =	shalt  }
0x85: {  	_ =	shalt  }
0x86: {  	_ =	shalt  }
0x87: {  	_ =	shalt  }
.Lfunc_end0:
.L_simem_size_0:
called_computation_lowered:
.L_overlay_start_0:
0x88: {  	s2 =	sld [smem:$0x3FD9]  }
0x89: {  	s3 =	sld [smem:$0x3FFE];
	_ =	sdelay $0x1  }
0x8a: {  	s1 =	srdreg.scid  }
0x8b: {  	s0 =	sand.u32 $0x1, s1  }
0x8c: {  	s17 =	sshll.u32 s0, $0xA;
	s2 =	sadd.s32 s3, s2  }
0x8d: {  	s2 =	sadd.s32 s2, s17  }
0x8e: {  	[smem:$0x3FC4] =	sst s2  }
0x8f: {  	_ = 	snop  }
0x90: {  	s2 =	sld [smem:$0x3FD0];
	(tm) =	ssettm $0x1  }
0x91: {  	s18 =	sld [smem:$0x3FFB];
	_ =	sdelay $0x3  }
0x92: {  	_ =	strace s18  }
0x93: {  	s3 =	sld [smem:$0x3FFC];
	_ =	sdelay $0x3  }
0x94: {  	_ =	strace s3  }
0x95: {  	s3 =	sld [smem:$0x3FFD];
	_ =	sdelay $0x3  }
0x96: {  	_ =	strace s3  }
0x97: {  	_ =	strace $0x8FFFFFFF  }
0x98: {  	s19 =	sld [smem:$0x3FDB];
	_ =	sdelay $0x1  }
0x99: {  	s4 =	simm.s32 $_scs_section_size  }
0x9a: {  	s5 =	simm.s32 $_size__tile_overlayer_lowered;
	s6 =	simm.s32 $_tile_overlayer_lowered  }
0x9b: {  	s22 =	simm.s32 $0x1BFF;
	s21 =	sshll.u32 s6, $0x1;
	s3 =	sadd.s32 s4, s19  }
0x9c: {  	s7 =	simm.s32 $0x0;
	s20 =	sshll.u32 s5, $0x1;
	s5 =	sadd.s32 s21, s3  }
0x9d: {  	[timem:s7], [sflag:s22] =	dma.local [hbm:s5], s20  }
0x9e: {  	_ =	swait.ge [sflag:s22], s20  }
0x9f: {  	s4 =	ssub.s32 $0x0, s20;
	[sflag:s22] =	ssyncset.done $0x0  }
0xa0: {  	[sflag:s22] =	ssyncadd.s32 s4;
	_ =	sdelay $0x1  }
0xa1: {  	s23 =	simm.s32 $0x1B8B  }
0xa2: {  	_ =	swait.ge [sflag:s23], $0x1  }
0xa3: {  	[sflag:s23] =	ssyncset.done $0x0  }
0xa4: {  	s25 =	simm.s32 $0x1B8E;
	s24 =	sld [smem:$0x3FFE];
	[sflag:s23] =	ssyncadd.s32 $0xFFFFFFFF  }
0xa5: {  	s26 =	simm.s32 $execute0_lowered;
	[smem:$0x3FD2] =	sst s25  }
0xa6: {  	s5 =	sshll.u32 s26, $0x1;
	_ =	strace $0x80000046;
	[dreg:$0x1] =	wrdreg $0xFFFFFFFF  }
0xa7: {  	s28 =	simm.s32 $_size_execute0_lowered;
	s3 =	sadd.s32 s3, s5;
	[dreg:$0x0] =	wrdreg $0x0  }
0xa8: {  	s5 =	sshll.u32 s28, $0x1;
	[dreg:$0x2] =	wrdreg s3  }
0xa9: {  	[dreg:$0x3] =	wrdreg s5  }
0xaa: {  	[dreg:$0x4] =	wrdreg $0xC0  }
0xab: {  	_ =	task [dreg:s7], $0x5FFFF  }
0xac: {  	[dreg:$0x1] =	wrdreg $0xFFFFFFFF  }
0xad: {  	[dreg:$0x0] =	wrdreg $0x60  }
0xae: {  	[dreg:$0x2] =	wrdreg s2  }
0xaf: {  	[dreg:$0x3] =	wrdreg s24  }
0xb0: {  	[dreg:$0x4] =	wrdreg $0x0  }
0xb1: {  	[dreg:$0x5] =	wrdreg $0x9  }
0xb2: {  	_ =	task.clear_ibuf [dreg:s7], $0x6FFFF;
	_ =	strace $0x90000046  }
0xb3: {  	s29 =	simm.s32 $0x9;
	_ =	strace $0x80000048  }
0xb4: {  	_ =	swait.ge [sflag:s29], $0x1  }
0xb5: {  	[sflag:s29] =	ssyncadd.s32 $0xFFFFFFFF  }
0xb6: {  	_ =	strace $0x90000048  }
0xb7: {  	_ =	sfence  }
0xb8: {  	s30 =	sld [smem:$0x0];
	_ =	sdelay $0x2  }
0xb9: {  	s31 =	sshll.u32 s1, $0xD;
	s1 =	sshrl.u32 s1, $0x2  }
0xba: {  	s3 =	sand.u32 $0x4000, s31;
	s1 =	sadd.s32 s1, s30  }
0xbb: {  	s0 =	sor.u32 s3, s0;
	s1 =	sshll.u32 s1, $0x11  }
0xbc: {  	s0 =	sor.u32 s1, s0  }
0xbd: {  	s0 =	sadd.s32 $0x8F2B, s0  }
0xbe: {  	[sflag:s0] =	ssyncadd.remote.s32 $0x1  }
0xbf: {  	_ =	sfence.sel $0xFFFF  }
0xc0: {  	[dreg:$0x0] =	wrdreg $0xFFFFFFFF;
	(pc) =	sbr.abs _section_cstart, $3  }
0xc1: {  	[dreg:$0x1] =	wrdreg $0xFFFFFFFF  }
0xc2: {  	_ =	task.clear_ibuf [dreg:s7], $0x2FFFF;
	_ =	strace $0x9FFFFFFF  }
0xc3: {  	(tm) =	ssettm $0x7FFFFFFF  }
tec
execute0_lowered:
.L_overlay_start_1:
0x0: {  	(tag) =	ssettag $0x1  }
0x1: {  	s1 =	rddreg [dreg:$0x0]  }
0x2: {  	s4 =	rddreg [dreg:$0x1]  }
0x3: {  	s2 =	rddreg [dreg:$0x2];
	s3 =	srdreg.scid  }
0x4: {  	s0 =	rddreg [dreg:$0x3];
	s7 =	stileid.u32;
	s9 =	simm.s32 $0x1870  }
0x5: {  	s10 =	simm.s32 $0x2;
	s11 =	simm.s32 $0x1;
	s12 =	simm.s32 $0x1BF70  }
0x6: {  	s13 =	simm.s32 $0x0;
	s5 =	sand.u32 $0x1, s3;
	s3 =	simm.s32 $0x0  }
0x7: {  	s6 =	sshll.u32 s7, $0xB;
	p0 =	sne.s32 s7, $0x0;
	s7 =	simm.s32 $0x19F70  }
0x8: {  	s8 =	sshll.u32 s5, $0xA;
	[smem:$0x7FF] =	sst s3;
	s5 =	ssub.s32 $0x2, s5  }
0x9: {  	s6 =	sor.u32 s8, s6;
	_ =	strace $0x80000047;
	s30 =	sshrl.u32 s5, $0x1  }
0xa: {  	s8 =	sshrl.u32 @!p0 s2, $0x3;
	s6 =	sadd.s32 s6, s4;
	s31 =	ssub.s32 s5, s30  }
0xb: {  	s4 =	sadd.s32 $0x200, s6;
	s5 =	sadd.s32 $0x8200, s6;
	s6 =	smax.u32 s31, $0x1  }
.LBB2_1:
0xc: {  	[tilespmem:s7], [sflag:$0x1] =	stream.linear.gather [hbm4b:s4+s3], $0x2000, $0x38;
	[tilespmem:$0x1DF70] =	vst v63  }
0xd: {  	s14 =	simm.s32 @!p0 $0x1C02  }
0xe: {  	[spmem:s8], [sflag:s14] =	dma.local @!p0 [hbm:s1], $0x30E0  }
0xf: {  	s14 =	simm.s32 @!p0 $0x2  }
0x10: {  	_ =	swait.ge @!p0 [sflag:s14], $0x30E0  }
0x11: {  	[sflag:s14] =	ssyncset.done @!p0 $0x0  }
0x12: {  	[sflag:s14] =	ssyncadd.s32 @!p0 $0xFFFFCF20  }
0x13: {  	[bflag:$0x0] =	sbarrier.arrive $0xFFFF  }
0x14: {  	[tilespmem:s9], [sflag:$0x2] =	stream.linear.gather [spmem:s2], $0x18700, $0x38;
	[tilespmem:$0x1DF70] =	vst v63  }
0x15: {  	_ =	swait.ge [sflag:s10], $0x18700  }
0x16: {  	[sflag:s10] =	ssyncset.done $0x0  }
0x17: {  	[sflag:s10] =	ssyncadd.s32 $0xFFFE7900  }
0x18: {  	_ =	swait.ge [sflag:s11], $0x2000  }
0x19: {  	s31 =	sand.u32 $0x1800, s3;
	s15 =	sand.u32 $0x380, s3;
	[sflag:s11] =	ssyncset.done $0x0  }
0x1a: {  	s14 =	sor.u32 s15, s31;
	[sflag:s11] =	ssyncadd.s32 $0xFFFFE000  }
0x1b: {  	v0 =	vld [tilespmem:s14+$0x19F70];
	_ =	sdelay $0x6  }
0x1c: {  	v1 =	vld [tilespmem:s14+$0x19F80]  }
0x1d: {  	v0 =	vld.idx.msk [tilespmem:v0+s9+$0x0], $0xffff;
	_ =	sdelay $0x4  }
0x1e: {  	[tilespmem:s14+$0x1BF70] =	vst v0;
	v0 =	vld [tilespmem:s14+$0x19F90];
	_ =	sdelay $0x1  }
0x1f: {  	v1 =	vld.idx.msk [tilespmem:v1+s9+$0x0], $0xffff;
	_ =	sdelay $0x4  }
0x20: {  	[tilespmem:s14+$0x1BF80] =	vst v1;
	v1 =	vld [tilespmem:s14+$0x19FA0]  }
0x21: {  	v0 =	vld.idx.msk [tilespmem:v0+s9+$0x0], $0xffff;
	_ =	sdelay $0x4  }
0x22: {  	[tilespmem:s14+$0x1BF90] =	vst v0;
	v0 =	vld [tilespmem:s14+$0x19FB0];
	_ =	sdelay $0x1  }
0x23: {  	v1 =	vld.idx.msk [tilespmem:v1+s9+$0x0], $0xffff;
	_ =	sdelay $0x4  }
0x24: {  	[tilespmem:s14+$0x1BFA0] =	vst v1;
	v1 =	vld [tilespmem:s14+$0x19FC0]  }
0x25: {  	v0 =	vld.idx.msk [tilespmem:v0+s9+$0x0], $0xffff;
	_ =	sdelay $0x4  }
0x26: {  	[tilespmem:s14+$0x1BFB0] =	vst v0;
	v0 =	vld [tilespmem:s14+$0x19FD0];
	_ =	sdelay $0x1  }
0x27: {  	v1 =	vld.idx.msk [tilespmem:v1+s9+$0x0], $0xffff;
	_ =	sdelay $0x4  }
0x28: {  	[tilespmem:s14+$0x1BFC0] =	vst v1;
	v1 =	vld [tilespmem:s14+$0x19FE0]  }
0x29: {  	v0 =	vld.idx.msk [tilespmem:v0+s9+$0x0], $0xffff;
	_ =	sdelay $0x4  }
0x2a: {  	[tilespmem:s14+$0x1BFD0] =	vst v0;
	v0 =	vld [tilespmem:s14+$0x1A370];
	_ =	sdelay $0x1  }
0x2b: {  	v1 =	vld.idx.msk [tilespmem:v1+s9+$0x0], $0xffff;
	_ =	sdelay $0x4  }
0x2c: {  	[tilespmem:s14+$0x1BFE0] =	vst v1;
	v1 =	vld [tilespmem:s14+$0x1A380]  }
0x2d: {  	v0 =	vld.idx.msk [tilespmem:v0+s9+$0x0], $0xffff;
	_ =	sdelay $0x4  }
0x2e: {  	[tilespmem:s14+$0x1C370] =	vst v0;
	v0 =	vld [tilespmem:s14+$0x1A390];
	_ =	sdelay $0x1  }
0x2f: {  	v1 =	vld.idx.msk [tilespmem:v1+s9+$0x0], $0xffff;
	_ =	sdelay $0x4  }
0x30: {  	[tilespmem:s14+$0x1C380] =	vst v1;
	v1 =	vld [tilespmem:s14+$0x1A3A0]  }
0x31: {  	v0 =	vld.idx.msk [tilespmem:v0+s9+$0x0], $0xffff;
	_ =	sdelay $0x4  }
0x32: {  	[tilespmem:s14+$0x1C390] =	vst v0;
	v0 =	vld [tilespmem:s14+$0x1A3A8];
	_ =	sdelay $0x1  }
0x33: {  	v1 =	vld.idx.msk [tilespmem:v1+s9+$0x0], $0xffff;
	_ =	sdelay $0x1  }
0x34: {  	s16 =	simm.s32 $0x100;
	s15 =	simm.s32 $0x80  }
0x35: {  	s17 =	sand.u32 $0x1800, s16;
	s16 =	simm.s32 $0x200;
	s18 =	sand.u32 $0x380, s15  }
.LBB2_2:
0x36: {  	p1 =	sne.s32 s16, $0x1F00;
	s17 =	sor.u32 s18, s17  }
0x37: {  	v2 =	vld [tilespmem:s17+$0x19F70];
	[tilespmem:s14+$0x1C3A0] =	vst v1  }
0x38: {  	v0 =	vld.idx.msk [tilespmem:v0+s9+$0x0], $0xffff;
	_ =	sdelay $0x5  }
0x39: {  	v1 =	vld [tilespmem:s17+$0x19F80];
	[tilespmem:s14+$0x1C3A8] =	vst v0;
	s14 =	smov.u32 s17  }
0x3a: {  	v0 =	vld.idx.msk [tilespmem:v2+s9+$0x0], $0xffff;
	_ =	sdelay $0x5  }
0x3b: {  	[tilespmem:s14+$0x1BF70] =	vst v0;
	v0 =	vld [tilespmem:s14+$0x19F90]  }
0x3c: {  	v1 =	vld.idx.msk [tilespmem:v1+s9+$0x0], $0xffff;
	_ =	sdelay $0x5  }
0x3d: {  	[tilespmem:s14+$0x1BF80] =	vst v1;
	v1 =	vld [tilespmem:s14+$0x19FA0]  }
0x3e: {  	v0 =	vld.idx.msk [tilespmem:v0+s9+$0x0], $0xffff;
	_ =	sdelay $0x5  }
0x3f: {  	[tilespmem:s14+$0x1BF90] =	vst v0;
	v0 =	vld [tilespmem:s14+$0x19FB0]  }
0x40: {  	v1 =	vld.idx.msk [tilespmem:v1+s9+$0x0], $0xffff;
	_ =	sdelay $0x5  }
0x41: {  	[tilespmem:s14+$0x1BFA0] =	vst v1;
	v1 =	vld [tilespmem:s14+$0x19FC0]  }
0x42: {  	v0 =	vld.idx.msk [tilespmem:v0+s9+$0x0], $0xffff;
	_ =	sdelay $0x5  }
0x43: {  	[tilespmem:s14+$0x1BFB0] =	vst v0;
	v0 =	vld [tilespmem:s14+$0x19FD0]  }
0x44: {  	v1 =	vld.idx.msk [tilespmem:v1+s9+$0x0], $0xffff;
	_ =	sdelay $0x5  }
0x45: {  	[tilespmem:s14+$0x1BFC0] =	vst v1;
	v1 =	vld [tilespmem:s14+$0x19FE0]  }
0x46: {  	v0 =	vld.idx.msk [tilespmem:v0+s9+$0x0], $0xffff;
	_ =	sdelay $0x5  }
0x47: {  	[tilespmem:s14+$0x1BFD0] =	vst v0;
	v0 =	vld [tilespmem:s14+$0x1A370]  }
0x48: {  	v1 =	vld.idx.msk [tilespmem:v1+s9+$0x0], $0xffff;
	_ =	sdelay $0x5  }
0x49: {  	[tilespmem:s14+$0x1BFE0] =	vst v1;
	v1 =	vld [tilespmem:s14+$0x1A380]  }
0x4a: {  	v0 =	vld.idx.msk [tilespmem:v0+s9+$0x0], $0xffff;
	_ =	sdelay $0x5  }
0x4b: {  	[tilespmem:s14+$0x1C370] =	vst v0;
	v0 =	vld [tilespmem:s14+$0x1A390]  }
0x4c: {  	v1 =	vld.idx.msk [tilespmem:v1+s9+$0x0], $0xffff;
	_ =	sdelay $0x5  }
0x4d: {  	[tilespmem:s14+$0x1C380] =	vst v1;
	v1 =	vld [tilespmem:s14+$0x1A3A0]  }
0x4e: {  	v0 =	vld.idx.msk [tilespmem:v0+s9+$0x0], $0xffff;
	_ =	sdelay $0x5  }
0x4f: {  	[tilespmem:s14+$0x1C390] =	vst v0;
	v0 =	vld [tilespmem:s14+$0x1A3A8]  }
.Ltmp0:
0x50: {  	v1 =	vld.idx.msk [tilespmem:v1+s9+$0x0], $0xffff;
	(pc) =	sbr.rel @p1 .LBB2_2-.Ltmp0, $3  }
0x51: {  	_ =	sdelay $0x1  }
0x52: {  	s15 =	sadd.s32 $0x80, s15  }
0x53: {  	s18 =	sand.u32 $0x380, s15;
	s17 =	sand.u32 $0x1800, s16;
	s16 =	sadd.s32 $0x100, s16  }
0x54: {  	_ = 	snop  }
0x55: {  	s15 =	sor.u32 s18, s17  }
0x56: {  	v2 =	vld [tilespmem:s15+$0x19F70]  }
0x57: {  	[tilespmem:s14+$0x1C3A0] =	vst v1  }
0x58: {  	v0 =	vld.idx.msk [tilespmem:v0+s9+$0x0], $0xffff;
	_ =	sdelay $0x3  }
0x59: {  	v1 =	vld [tilespmem:s15+$0x19F80]  }
0x5a: {  	[tilespmem:s14+$0x1C3A8] =	vst v0  }
0x5b: {  	v0 =	vld.idx.msk [tilespmem:v2+s9+$0x0], $0xffff;
	_ =	sdelay $0x3  }
0x5c: {  	v53 =	vld [tilespmem:s15+$0x19F90]  }
0x5d: {  	[tilespmem:s15+$0x1BF70] =	vst v0  }
0x5e: {  	v0 =	vld.idx.msk [tilespmem:v1+s9+$0x0], $0xffff;
	_ =	sdelay $0x3  }
0x5f: {  	v54 =	vld [tilespmem:s15+$0x19FA0]  }
0x60: {  	[tilespmem:s15+$0x1BF80] =	vst v0  }
0x61: {  	v0 =	vld.idx.msk [tilespmem:v53+s9+$0x0], $0xffff;
	_ =	sdelay $0x3  }
0x62: {  	v55 =	vld [tilespmem:s15+$0x19FB0]  }
0x63: {  	[tilespmem:s15+$0x1BF90] =	vst v0  }
0x64: {  	v0 =	vld.idx.msk [tilespmem:v54+s9+$0x0], $0xffff;
	_ =	sdelay $0x3  }
0x65: {  	v56 =	vld [tilespmem:s15+$0x19FC0]  }
0x66: {  	[tilespmem:s15+$0x1BFA0] =	vst v0  }
0x67: {  	v0 =	vld.idx.msk [tilespmem:v55+s9+$0x0], $0xffff;
	_ =	sdelay $0x3  }
0x68: {  	v57 =	vld [tilespmem:s15+$0x19FD0]  }
0x69: {  	[tilespmem:s15+$0x1BFB0] =	vst v0  }
0x6a: {  	v0 =	vld.idx.msk [tilespmem:v56+s9+$0x0], $0xffff;
	_ =	sdelay $0x3  }
0x6b: {  	v58 =	vld [tilespmem:s15+$0x19FE0]  }
0x6c: {  	[tilespmem:s15+$0x1BFC0] =	vst v0  }
0x6d: {  	v0 =	vld.idx.msk [tilespmem:v57+s9+$0x0], $0xffff;
	_ =	sdelay $0x3  }
0x6e: {  	v59 =	vld [tilespmem:s15+$0x1A370]  }
0x6f: {  	[tilespmem:s15+$0x1BFD0] =	vst v0  }
0x70: {  	v0 =	vld.idx.msk [tilespmem:v58+s9+$0x0], $0xffff;
	_ =	sdelay $0x3  }
0x71: {  	v60 =	vld [tilespmem:s15+$0x1A380]  }
0x72: {  	[tilespmem:s15+$0x1BFE0] =	vst v0  }
0x73: {  	v0 =	vld.idx.msk [tilespmem:v59+s9+$0x0], $0xffff;
	_ =	sdelay $0x3  }
0x74: {  	v61 =	vld [tilespmem:s15+$0x1A390]  }
0x75: {  	[tilespmem:s15+$0x1C370] =	vst v0  }
0x76: {  	v0 =	vld.idx.msk [tilespmem:v60+s9+$0x0], $0xffff;
	_ =	sdelay $0x3  }
0x77: {  	v62 =	vld [tilespmem:s15+$0x1A3A0]  }
0x78: {  	[tilespmem:s15+$0x1C380] =	vst v0  }
0x79: {  	v0 =	vld.idx.msk [tilespmem:v61+s9+$0x0], $0xffff;
	_ =	sdelay $0x3  }
0x7a: {  	v63 =	vld [tilespmem:s15+$0x1A3A8]  }
0x7b: {  	[tilespmem:s15+$0x1C390] =	vst v0  }
0x7c: {  	v0 =	vld.idx.msk [tilespmem:v62+s9+$0x0], $0xffff;
	_ =	sdelay $0x4  }
0x7d: {  	[tilespmem:s15+$0x1C3A0] =	vst v0  }
0x7e: {  	v0 =	vld.idx.msk [tilespmem:v63+s9+$0x0], $0xffff;
	_ =	sdelay $0x2  }
0x7f: {  	s13 =	sadd.s32 $0x1, s13  }
0x80: {  	p1 =	sne.s32 s13, s6  }
.Ltmp1:
0x81: {  	[tilespmem:s15+$0x1C3A8] =	vst v0;
	(pc) =	sbr.rel @p1 .LBB2_1-.Ltmp1, $4  }
0x82: {  	[hbm4b:s5+s3] =	stream.linear.scatter [tilespmem:s12], [sflag:$0x2], $0x2000, $0x38;
	[tilespmem:$0x1DF70] =	vst v63  }
0x83: {  	_ =	swait.ge [sflag:s10], $0x2000  }
0x84: {  	[sflag:s10] =	ssyncset.done $0x0  }
0x85: {  	[sflag:s10] =	ssyncadd.s32 $0xFFFFE000  }
0x86: {  	_ =	sfence.sel $0x180000  }
0x87: {  	[bflag:$0x0] =	sbarrier.arrive $0xFFFF  }
0x88: {  	_ =	strace $0x90000047  }
0x89: {  	s0 =	sadd.s32 @!p0 $0x100000, s0;
	[bflag:$0x2] =	sbarrier.arrive $0xFFFF  }
0x8a: {  	[sflag:s0] =	ssyncadd.tile.s32 @!p0 $0x1;
	_ =	shalt  }
.Lfunc_end2:
_tile_overlayer_lowered:
.L_overlay_start_2:
0x8b: {  	(tag) =	ssettag $0x2  }
0x8c: {  	s0 =	rddreg [dreg:$0x0];
	s2 =	stileid.u32  }
0x8d: {  	s1 =	rddreg [dreg:$0x1];
	p0 =	sne.s32 s2, $0x0  }
0x8e: {  	s3 =	rddreg [dreg:$0x2];
	[bflag:$0x3] =	sbarrier.arrive $0xFFFF;
	s2 =	simm.s32 @!p0 $0x1C02  }
0x8f: {  	[timem:s3], [sflag:s2] =	dma.local @!p0 [hbm:s0], s1  }
0x90: {  	s0 =	simm.s32 @!p0 $0x2  }
0x91: {  	_ =	swait.ge @!p0 [sflag:s0], s1  }
0x92: {  	s1 =	ssub.s32 @!p0 $0x0, s1;
	[sflag:s0] =	ssyncset.done @!p0 $0x0  }
0x93: {  	[sflag:s0] =	ssyncadd.s32 @!p0 s1  }
0x94: {  	[bflag:$0x3] =	sbarrier.arrive $0xFFFF  }
0x95: {  	_ =	shalt  }

</sc_bundles>
